<compile_context>
chip_gen: v7x
topology: tpu7x:2x2x1
jax: 0.10.2.dev20260603
libtpu: 0.0.44.dev20260713+nightly
codegen_flags: <defaults>
</compile_context>

<pallas_src>
import functools

import jax
import jax.numpy as jnp
from jax import lax
from jax.experimental import pallas as pl
from jax.experimental.pallas import tpu as pltpu
from jax.experimental.pallas import tpu_sc as plsc

_N_CODES = 8192
_K = 256
_HW = 1024
_BN = 512
_N_TILES = _N_CODES // _BN


def _vq_argmin_body(z_ref, dn_ref, a_ref, en_ref, b_ref, idx_ref,
                    s0_ref, s1_ref):
    zn = z_ref[0] / dn_ref[0]
    sum_z = a_ref[0]

    def dot_tile(n):
        en = en_ref[pl.ds(n * _BN, _BN), :]
        return lax.dot_general(en, zn, (((1,), (0,)), ((), ())),
                               preferred_element_type=jnp.float32)

    def consume(s_ref, n, carry):
        cur_min, cur_idx = carry
        sum_e = b_ref[pl.ds(n * _BN, _BN), :]
        d = (sum_z + sum_e) - 2.0 * s_ref[...]
        tmin = jnp.min(d, axis=0, keepdims=True)
        targ = jnp.argmin(d, axis=0)[None, :].astype(jnp.int32) + n * _BN
        better = tmin < cur_min
        return (jnp.where(better, tmin, cur_min),
                jnp.where(better, targ, cur_idx))

    s0_ref[...] = dot_tile(0)

    def step(m, carry):
        n = 2 * m
        s1_ref[...] = dot_tile(n + 1)
        carry = consume(s0_ref, n, carry)
        s0_ref[...] = dot_tile((n + 2) % _N_TILES)
        return consume(s1_ref, n + 1, carry)

    init = (jnp.full((1, _HW), jnp.inf, jnp.float32),
            jnp.zeros((1, _HW), jnp.int32))
    _, idx = lax.fori_loop(0, _N_TILES // 2, step, init)
    idx_ref[0] = idx


def _tc_argmin(z4, dn4, a4, en, b2):
    return pl.pallas_call(
        _vq_argmin_body,
        grid=(z4.shape[0],),
        in_specs=[
            pl.BlockSpec((1, _K, _HW), lambda i: (i, 0, 0)),
            pl.BlockSpec((1, 1, _HW), lambda i: (i, 0, 0)),
            pl.BlockSpec((1, 1, _HW), lambda i: (i, 0, 0)),
            pl.BlockSpec((_N_CODES, _K), lambda i: (0, 0)),
            pl.BlockSpec((_N_CODES, 1), lambda i: (0, 0)),
        ],
        out_specs=pl.BlockSpec((1, 1, _HW), lambda i: (i, 0, 0)),
        out_shape=jax.ShapeDtypeStruct((z4.shape[0], 1, _HW), jnp.int32),
        scratch_shapes=[pltpu.VMEM((_BN, _HW), jnp.float32),
                        pltpu.VMEM((_BN, _HW), jnp.float32)],
    )(z4, dn4, a4, en, b2)


_NW = 32
_B_PER_W = 256
_CHUNK = 128


def _sc_gather_body(emb_hbm, idx_hbm, out_hbm, idx_v, rows_v, sem):
    wid = lax.axis_index("s") * 2 + lax.axis_index("c")
    base = wid * _B_PER_W
    for j in range(_B_PER_W // _CHUNK):
        pltpu.sync_copy(idx_hbm.at[pl.ds(base + j * _CHUNK, _CHUNK)],
                        idx_v.at[j])
        pltpu.async_copy(emb_hbm.at[idx_v.at[j]],
                         rows_v.at[pl.ds(j * _CHUNK, _CHUNK)], sem).wait()
    pltpu.sync_copy(rows_v, out_hbm.at[pl.ds(base, _B_PER_W)])


def _sc_gather(emb, idx_flat):
    mesh = plsc.VectorSubcoreMesh(core_axis_name="c", subcore_axis_name="s")
    return pl.kernel(
        _sc_gather_body,
        out_type=jax.ShapeDtypeStruct((_NW * _B_PER_W, _K), jnp.float32),
        mesh=mesh,
        scratch_types=[
            pltpu.VMEM((_B_PER_W // _CHUNK, _CHUNK), jnp.int32),
            pltpu.VMEM((_B_PER_W, _K), jnp.float32),
            pltpu.SemaphoreType.DMA,
        ],
    )(emb, idx_flat)


def kernel(z, embedding_weight):
    b, c, h, w = z.shape
    zt = jnp.transpose(z, (0, 2, 3, 1))
    denom = jnp.sqrt(jnp.sum(zt * zt, axis=-1, keepdims=True) + 1e-12)
    zf = (zt / denom).reshape(-1, _K)
    en = embedding_weight / jnp.sqrt(
        jnp.sum(embedding_weight * embedding_weight, axis=-1, keepdims=True)
        + 1e-12)
    a = jnp.sum(zf ** 2, axis=1, keepdims=True)
    b2 = jnp.sum(en ** 2, axis=1, keepdims=True)

    z4 = z.reshape(b, c, h * w)
    dn4 = denom.reshape(b, 1, h * w)
    a4 = a.reshape(b, 1, h * w)
    idx = _tc_argmin(z4, dn4, a4, en, b2)
    idx_flat = idx.reshape(-1)
    zq_rows = _sc_gather(en, idx_flat)
    z_q = zq_rows.reshape(b, h, w, c).transpose(0, 3, 1, 2)
    return z_q, idx_flat

# --- scband reference (transcript-rebuilt; emitter-appended) ---
"""Pipeline reference for scband-vector-quantizer-68719477175 (READ-ONLY COPY).

The authoritative reference and input builder live on the scoring server;
editing this copy changes nothing except your own understanding.
"""

import jax, jax.numpy as jnp
import numpy as np

N_E = 8192
E_DIM = 256

def _l2norm(x):
    return x / jnp.sqrt(jnp.sum(x * x, axis=-1, keepdims=True) + 1e-12)

def setup_inputs(seed: int = 0) -> dict:
    key = jax.random.key(seed)
    k1, k2 = jax.random.split(key)
    z = jax.random.normal(k1, (8, 256, 32, 32), dtype=jnp.float32)
    emb = jax.random.uniform(k2, (N_E, E_DIM), minval=-1.0 / N_E, maxval=1.0 / N_E, dtype=jnp.float32)
    emb = _l2norm(emb)  # module normalizes codebook at init when l2_norm=True
    return {"z": z, "embedding_weight": emb}

def reference(z, embedding_weight):
    # b c h w -> b h w c
    z = jnp.transpose(z, (0, 2, 3, 1))
    # l2_norm=True path
    z = _l2norm(z)
    z_flat = z.reshape(-1, E_DIM)
    emb = _l2norm(embedding_weight)
    # squared-euclidean distance matrix [tokens, n_e]
    d = (jnp.sum(z_flat ** 2, axis=1, keepdims=True)
         + jnp.sum(emb ** 2, axis=1)
         - 2.0 * (z_flat @ emb.T))
    min_encoding_indices = jnp.argmin(d, axis=1)
    z_q = jnp.take(emb, min_encoding_indices, axis=0).reshape(z.shape)
    # straight-through estimator
    z_q = z + jax.lax.stop_gradient(z_q - z)
    # b h w c -> b c h w
    z_q = jnp.transpose(z_q, (0, 3, 1, 2))
    return z_q, min_encoding_indices

if __name__ == "__main__":
    import jax
    _d = setup_inputs()
    print(jax.jit(kernel)(*tuple(_d.values())))

</pallas_src>

<mosaic_0001>
#map = affine_map<(d0, d1) -> (0, 0)>
#map1 = affine_map<(d0, d1) -> (0)>
module attributes {stable_mosaic.version = 14 : i64} {
  func.func @_sc_gather_body(%arg0: i32, %arg1: i32, %arg2: memref<8192x256xf32, #tpu.memory_space<hbm>>, %arg3: memref<8192xi32, #tpu.memory_space<hbm>>, %arg4: memref<8192x256xf32, #tpu.memory_space<hbm>>, %arg5: memref<2x128xi32, #tpu.memory_space<vmem>>, %arg6: memref<256x256xf32, #tpu.memory_space<vmem>>, %arg7: memref<!tpu.dma_semaphore, #tpu.memory_space<semaphore_mem>>) attributes {dimension_semantics = [#tpu.dimension_semantics<core_parallel>, #tpu.dimension_semantics<subcore_parallel>], iteration_bounds = array<i64: 2, 16>, scalar_prefetch = 0 : i64, scratch_operands = 3 : i64, tpu.core_type = #tpu.core_type<sc_vector_subcore>, window_params = [{transform_indices = #map}, {transform_indices = #map1}, {transform_indices = #map}]} {
    %mul3A = arith.constant 2 : i32
    %mul3A_0 = arith.muli %arg1, %mul3A : i32
    %add3A = arith.addi %mul3A_0, %arg0 : i32
    %mul3A_1 = arith.constant 256 : i32
    %mul3A_2 = arith.muli %add3A, %mul3A_1 : i32
    %add3A_3 = arith.constant 0 : i32
    %add3A_4 = arith.addi %mul3A_2, %add3A_3 : i32
    %run_scoped3A = arith.constant 0 : i32
    "tpu.region"() ({
      %run_scoped3A_46 = tpu.sem_alloc : memref<!tpu.dma_semaphore, #tpu.memory_space<semaphore_mem>>
      %dma_start3A_47 = arith.constant 0 : i32
      %dma_start3A_48 = tpu.memref_slice %arg5[%run_scoped3A, %dma_start3A_47] : memref<2x128xi32, #tpu.memory_space<vmem>> -> memref<1x128xi32, #tpu.memory_space<vmem>>
      %dma_start3A_49 = tpu.memref_squeeze %dma_start3A_48 : memref<1x128xi32, #tpu.memory_space<vmem>> -> memref<128xi32, #tpu.memory_space<vmem>>
      %dma_start3A_50 = tpu.memref_slice %arg3[%add3A_4] : memref<8192xi32, #tpu.memory_space<hbm>> -> memref<128xi32, #tpu.memory_space<hbm>>
      %dma_start3A_51 = arith.constant 0 : i32
      %dma_start3A_52 = tpu.memref_slice %arg5[%run_scoped3A, %dma_start3A_51] : memref<2x128xi32, #tpu.memory_space<vmem>> -> memref<1x128xi32, #tpu.memory_space<vmem>>
      %dma_start3A_53 = tpu.memref_squeeze %dma_start3A_52 : memref<1x128xi32, #tpu.memory_space<vmem>> -> memref<128xi32, #tpu.memory_space<vmem>>
      %dma_start3A_54 = tpu.memref_slice %arg3[%add3A_4] : memref<8192xi32, #tpu.memory_space<hbm>> -> memref<128xi32, #tpu.memory_space<hbm>>
      tpu.enqueue_dma source(%dma_start3A_54 : memref<128xi32, #tpu.memory_space<hbm>>) target(%dma_start3A_53 : memref<128xi32, #tpu.memory_space<vmem>>) target_semaphore(%run_scoped3A_46 : memref<!tpu.dma_semaphore, #tpu.memory_space<semaphore_mem>>)
      %dma_wait3A_55 = arith.constant 0 : i32
      %dma_wait3A_56 = tpu.memref_slice %arg5[%run_scoped3A, %dma_wait3A_55] : memref<2x128xi32, #tpu.memory_space<vmem>> -> memref<1x128xi32, #tpu.memory_space<vmem>>
      %dma_wait3A_57 = tpu.memref_squeeze %dma_wait3A_56 : memref<1x128xi32, #tpu.memory_space<vmem>> -> memref<128xi32, #tpu.memory_space<vmem>>
      %dma_wait3A_58 = tpu.memref_slice %arg3[%add3A_4] : memref<8192xi32, #tpu.memory_space<hbm>> -> memref<128xi32, #tpu.memory_space<hbm>>
      %dma_wait3A_59 = arith.constant 0 : i32
      %dma_wait3A_60 = tpu.memref_slice %arg5[%run_scoped3A, %dma_wait3A_59] : memref<2x128xi32, #tpu.memory_space<vmem>> -> memref<1x128xi32, #tpu.memory_space<vmem>>
      %dma_wait3A_61 = tpu.memref_squeeze %dma_wait3A_60 : memref<1x128xi32, #tpu.memory_space<vmem>> -> memref<128xi32, #tpu.memory_space<vmem>>
      %dma_wait3A_62 = tpu.memref_slice %arg3[%add3A_4] : memref<8192xi32, #tpu.memory_space<hbm>> -> memref<128xi32, #tpu.memory_space<hbm>>
      tpu.wait_dma2 semaphore(%run_scoped3A_46 : memref<!tpu.dma_semaphore, #tpu.memory_space<semaphore_mem>>) src(%dma_wait3A_62 : memref<128xi32, #tpu.memory_space<hbm>>) dst(%dma_wait3A_61 : memref<128xi32, #tpu.memory_space<vmem>>)
      tpu.yield
    }) : () -> ()
    %dma_start3A = arith.constant 0 : i32
    %dma_start3A_5 = arith.constant 0 : i32
    %dma_start3A_6 = arith.constant 0 : i32
    %dma_start3A_7 = tpu.memref_slice %arg6[%dma_start3A_5, %dma_start3A_6] : memref<256x256xf32, #tpu.memory_space<vmem>> -> memref<128x256xf32, #tpu.memory_space<vmem>>
    %dma_start3A_8 = arith.constant 0 : i32
    %dma_start3A_9 = tpu.memref_slice %arg5[%dma_start3A, %dma_start3A_8] : memref<2x128xi32, #tpu.memory_space<vmem>> -> memref<1x128xi32, #tpu.memory_space<vmem>>
    %dma_start3A_10 = tpu.memref_squeeze %dma_start3A_9 : memref<1x128xi32, #tpu.memory_space<vmem>> -> memref<128xi32, #tpu.memory_space<vmem>>
    %dma_start3A_11 = arith.constant 0 : i32
    %dma_start3A_12 = arith.constant 0 : i32
    %dma_start3A_13 = tpu.memref_slice %arg2[%dma_start3A_11, %dma_start3A_12] : memref<8192x256xf32, #tpu.memory_space<hbm>> -> memref<8192x256xf32, #tpu.memory_space<hbm>>
    tpu.enqueue_indirect_dma source(%dma_start3A_13 : memref<8192x256xf32, #tpu.memory_space<hbm>>) target(%dma_start3A_7 : memref<128x256xf32, #tpu.memory_space<vmem>>) offsets(%dma_start3A_10 : memref<128xi32, #tpu.memory_space<vmem>>) semaphore(%arg7 : memref<!tpu.dma_semaphore, #tpu.memory_space<semaphore_mem>>)
    %dma_wait3A = arith.constant 0 : i32
    %dma_wait3A_14 = arith.constant 0 : i32
    %dma_wait3A_15 = arith.constant 0 : i32
    %dma_wait3A_16 = tpu.memref_slice %arg6[%dma_wait3A_14, %dma_wait3A_15] : memref<256x256xf32, #tpu.memory_space<vmem>> -> memref<128x256xf32, #tpu.memory_space<vmem>>
    %dma_wait3A_17 = arith.constant 0 : i32
    %dma_wait3A_18 = tpu.memref_slice %arg5[%dma_wait3A, %dma_wait3A_17] : memref<2x128xi32, #tpu.memory_space<vmem>> -> memref<1x128xi32, #tpu.memory_space<vmem>>
    %dma_wait3A_19 = tpu.memref_squeeze %dma_wait3A_18 : memref<1x128xi32, #tpu.memory_space<vmem>> -> memref<128xi32, #tpu.memory_space<vmem>>
    %dma_wait3A_20 = arith.constant 0 : i32
    %dma_wait3A_21 = arith.constant 0 : i32
    %dma_wait3A_22 = tpu.memref_slice %arg2[%dma_wait3A_20, %dma_wait3A_21] : memref<8192x256xf32, #tpu.memory_space<hbm>> -> memref<8192x256xf32, #tpu.memory_space<hbm>>
    tpu.wait_indirect_dma semaphore(%arg7 : memref<!tpu.dma_semaphore, #tpu.memory_space<semaphore_mem>>) src(%dma_wait3A_22 : memref<8192x256xf32, #tpu.memory_space<hbm>>) dst(%dma_wait3A_16 : memref<128x256xf32, #tpu.memory_space<vmem>>)
    %add3A_23 = arith.constant 128 : i32
    %add3A_24 = arith.addi %mul3A_2, %add3A_23 : i32
    %run_scoped3A_25 = arith.constant 1 : i32
    "tpu.region"() ({
      %run_scoped3A_46 = tpu.sem_alloc : memref<!tpu.dma_semaphore, #tpu.memory_space<semaphore_mem>>
      %dma_start3A_47 = arith.constant 0 : i32
      %dma_start3A_48 = tpu.memref_slice %arg5[%run_scoped3A_25, %dma_start3A_47] : memref<2x128xi32, #tpu.memory_space<vmem>> -> memref<1x128xi32, #tpu.memory_space<vmem>>
      %dma_start3A_49 = tpu.memref_squeeze %dma_start3A_48 : memref<1x128xi32, #tpu.memory_space<vmem>> -> memref<128xi32, #tpu.memory_space<vmem>>
      %dma_start3A_50 = tpu.memref_slice %arg3[%add3A_24] : memref<8192xi32, #tpu.memory_space<hbm>> -> memref<128xi32, #tpu.memory_space<hbm>>
      %dma_start3A_51 = arith.constant 0 : i32
      %dma_start3A_52 = tpu.memref_slice %arg5[%run_scoped3A_25, %dma_start3A_51] : memref<2x128xi32, #tpu.memory_space<vmem>> -> memref<1x128xi32, #tpu.memory_space<vmem>>
      %dma_start3A_53 = tpu.memref_squeeze %dma_start3A_52 : memref<1x128xi32, #tpu.memory_space<vmem>> -> memref<128xi32, #tpu.memory_space<vmem>>
      %dma_start3A_54 = tpu.memref_slice %arg3[%add3A_24] : memref<8192xi32, #tpu.memory_space<hbm>> -> memref<128xi32, #tpu.memory_space<hbm>>
      tpu.enqueue_dma source(%dma_start3A_54 : memref<128xi32, #tpu.memory_space<hbm>>) target(%dma_start3A_53 : memref<128xi32, #tpu.memory_space<vmem>>) target_semaphore(%run_scoped3A_46 : memref<!tpu.dma_semaphore, #tpu.memory_space<semaphore_mem>>)
      %dma_wait3A_55 = arith.constant 0 : i32
      %dma_wait3A_56 = tpu.memref_slice %arg5[%run_scoped3A_25, %dma_wait3A_55] : memref<2x128xi32, #tpu.memory_space<vmem>> -> memref<1x128xi32, #tpu.memory_space<vmem>>
      %dma_wait3A_57 = tpu.memref_squeeze %dma_wait3A_56 : memref<1x128xi32, #tpu.memory_space<vmem>> -> memref<128xi32, #tpu.memory_space<vmem>>
      %dma_wait3A_58 = tpu.memref_slice %arg3[%add3A_24] : memref<8192xi32, #tpu.memory_space<hbm>> -> memref<128xi32, #tpu.memory_space<hbm>>
      %dma_wait3A_59 = arith.constant 0 : i32
      %dma_wait3A_60 = tpu.memref_slice %arg5[%run_scoped3A_25, %dma_wait3A_59] : memref<2x128xi32, #tpu.memory_space<vmem>> -> memref<1x128xi32, #tpu.memory_space<vmem>>
      %dma_wait3A_61 = tpu.memref_squeeze %dma_wait3A_60 : memref<1x128xi32, #tpu.memory_space<vmem>> -> memref<128xi32, #tpu.memory_space<vmem>>
      %dma_wait3A_62 = tpu.memref_slice %arg3[%add3A_24] : memref<8192xi32, #tpu.memory_space<hbm>> -> memref<128xi32, #tpu.memory_space<hbm>>
      tpu.wait_dma2 semaphore(%run_scoped3A_46 : memref<!tpu.dma_semaphore, #tpu.memory_space<semaphore_mem>>) src(%dma_wait3A_62 : memref<128xi32, #tpu.memory_space<hbm>>) dst(%dma_wait3A_61 : memref<128xi32, #tpu.memory_space<vmem>>)
      tpu.yield
    }) : () -> ()
    %dma_start3A_26 = arith.constant 1 : i32
    %dma_start3A_27 = arith.constant 128 : i32
    %dma_start3A_28 = arith.constant 0 : i32
    %dma_start3A_29 = tpu.memref_slice %arg6[%dma_start3A_27, %dma_start3A_28] : memref<256x256xf32, #tpu.memory_space<vmem>> -> memref<128x256xf32, #tpu.memory_space<vmem>>
    %dma_start3A_30 = arith.constant 0 : i32
    %dma_start3A_31 = tpu.memref_slice %arg5[%dma_start3A_26, %dma_start3A_30] : memref<2x128xi32, #tpu.memory_space<vmem>> -> memref<1x128xi32, #tpu.memory_space<vmem>>
    %dma_start3A_32 = tpu.memref_squeeze %dma_start3A_31 : memref<1x128xi32, #tpu.memory_space<vmem>> -> memref<128xi32, #tpu.memory_space<vmem>>
    %dma_start3A_33 = arith.constant 0 : i32
    %dma_start3A_34 = arith.constant 0 : i32
    %dma_start3A_35 = tpu.memref_slice %arg2[%dma_start3A_33, %dma_start3A_34] : memref<8192x256xf32, #tpu.memory_space<hbm>> -> memref<8192x256xf32, #tpu.memory_space<hbm>>
    tpu.enqueue_indirect_dma source(%dma_start3A_35 : memref<8192x256xf32, #tpu.memory_space<hbm>>) target(%dma_start3A_29 : memref<128x256xf32, #tpu.memory_space<vmem>>) offsets(%dma_start3A_32 : memref<128xi32, #tpu.memory_space<vmem>>) semaphore(%arg7 : memref<!tpu.dma_semaphore, #tpu.memory_space<semaphore_mem>>)
    %dma_wait3A_36 = arith.constant 1 : i32
    %dma_wait3A_37 = arith.constant 128 : i32
    %dma_wait3A_38 = arith.constant 0 : i32
    %dma_wait3A_39 = tpu.memref_slice %arg6[%dma_wait3A_37, %dma_wait3A_38] : memref<256x256xf32, #tpu.memory_space<vmem>> -> memref<128x256xf32, #tpu.memory_space<vmem>>
    %dma_wait3A_40 = arith.constant 0 : i32
    %dma_wait3A_41 = tpu.memref_slice %arg5[%dma_wait3A_36, %dma_wait3A_40] : memref<2x128xi32, #tpu.memory_space<vmem>> -> memref<1x128xi32, #tpu.memory_space<vmem>>
    %dma_wait3A_42 = tpu.memref_squeeze %dma_wait3A_41 : memref<1x128xi32, #tpu.memory_space<vmem>> -> memref<128xi32, #tpu.memory_space<vmem>>
    %dma_wait3A_43 = arith.constant 0 : i32
    %dma_wait3A_44 = arith.constant 0 : i32
    %dma_wait3A_45 = tpu.memref_slice %arg2[%dma_wait3A_43, %dma_wait3A_44] : memref<8192x256xf32, #tpu.memory_space<hbm>> -> memref<8192x256xf32, #tpu.memory_space<hbm>>
    tpu.wait_indirect_dma semaphore(%arg7 : memref<!tpu.dma_semaphore, #tpu.memory_space<semaphore_mem>>) src(%dma_wait3A_45 : memref<8192x256xf32, #tpu.memory_space<hbm>>) dst(%dma_wait3A_39 : memref<128x256xf32, #tpu.memory_space<vmem>>)
    "tpu.region"() ({
      %run_scoped3A_46 = tpu.sem_alloc : memref<!tpu.dma_semaphore, #tpu.memory_space<semaphore_mem>>
      %dma_start3A_47 = arith.constant 0 : i32
      %dma_start3A_48 = tpu.memref_slice %arg4[%mul3A_2, %dma_start3A_47] : memref<8192x256xf32, #tpu.memory_space<hbm>> -> memref<256x256xf32, #tpu.memory_space<hbm>>
      %dma_start3A_49 = arith.constant 0 : i32
      %dma_start3A_50 = tpu.memref_slice %arg4[%mul3A_2, %dma_start3A_49] : memref<8192x256xf32, #tpu.memory_space<hbm>> -> memref<256x256xf32, #tpu.memory_space<hbm>>
      tpu.enqueue_dma source(%arg6 : memref<256x256xf32, #tpu.memory_space<vmem>>) target(%dma_start3A_50 : memref<256x256xf32, #tpu.memory_space<hbm>>) target_semaphore(%run_scoped3A_46 : memref<!tpu.dma_semaphore, #tpu.memory_space<semaphore_mem>>)
      %dma_wait3A_51 = arith.constant 0 : i32
      %dma_wait3A_52 = tpu.memref_slice %arg4[%mul3A_2, %dma_wait3A_51] : memref<8192x256xf32, #tpu.memory_space<hbm>> -> memref<256x256xf32, #tpu.memory_space<hbm>>
      %dma_wait3A_53 = arith.constant 0 : i32
      %dma_wait3A_54 = tpu.memref_slice %arg4[%mul3A_2, %dma_wait3A_53] : memref<8192x256xf32, #tpu.memory_space<hbm>> -> memref<256x256xf32, #tpu.memory_space<hbm>>
      tpu.wait_dma2 semaphore(%run_scoped3A_46 : memref<!tpu.dma_semaphore, #tpu.memory_space<semaphore_mem>>) src(%arg6 : memref<256x256xf32, #tpu.memory_space<vmem>>) dst(%dma_wait3A_54 : memref<256x256xf32, #tpu.memory_space<hbm>>)
      tpu.yield
    }) : () -> ()
    return
  }
}

module attributes {stable_mosaic.version = 14 : i64} {
  func.func @_vq_argmin_body(%arg0: i32, %arg1: memref<1x256x1024xf32, #tpu.memory_space<vmem>>, %arg2: memref<1x1x1024xf32, #tpu.memory_space<vmem>>, %arg3: memref<1x1x1024xf32, #tpu.memory_space<vmem>>, %arg4: memref<8192x256xf32, #tpu.memory_space<vmem>>, %arg5: memref<8192x1xf32, #tpu.memory_space<vmem>>, %arg6: memref<1x1x1024xi32, #tpu.memory_space<vmem>>, %arg7: memref<512x1024xf32, #tpu.memory_space<vmem>>, %arg8: memref<512x1024xf32, #tpu.memory_space<vmem>>) attributes {dimension_semantics = [#tpu.dimension_semantics<arbitrary>], iteration_bounds = array<i64: 8>, scalar_prefetch = 0 : i64, scratch_operands = 2 : i64, tpu.core_type = #tpu.core_type<tc>, window_params = [{transform_indices = @transform_0, window_bounds = array<i64: 1, 256, 1024>}, {transform_indices = @transform_1, window_bounds = array<i64: 1, 1, 1024>}, {transform_indices = @transform_2, window_bounds = array<i64: 1, 1, 1024>}, {pipeline_mode = #tpu.pipeline_mode<synchronous>, transform_indices = @transform_3, window_bounds = array<i64: 8192, 256>}, {pipeline_mode = #tpu.pipeline_mode<synchronous>, transform_indices = @transform_4, window_bounds = array<i64: 8192, 1>}, {transform_indices = @transform_5, window_bounds = array<i64: 1, 1, 1024>}]} {
    %get3A = arith.constant 0 : index
    %get3A_0 = arith.constant 0 : index
    %get3A_1 = arith.constant 0 : index
    %get3A_2 = vector.load %arg1[%get3A, %get3A_0, %get3A_1] : memref<1x256x1024xf32, #tpu.memory_space<vmem>>, vector<1x256x1024xf32>
    %get3A_3 = vector.shape_cast %get3A_2 : vector<1x256x1024xf32> to vector<256x1024xf32>
    %get3A_4 = arith.constant 0 : index
    %get3A_5 = arith.constant 0 : index
    %get3A_6 = arith.constant 0 : index
    %get3A_7 = vector.load %arg2[%get3A_4, %get3A_5, %get3A_6] : memref<1x1x1024xf32, #tpu.memory_space<vmem>>, vector<1x1x1024xf32>
    %get3A_8 = vector.shape_cast %get3A_7 : vector<1x1x1024xf32> to vector<1x1024xf32>
    %div3A = vector.broadcast %get3A_8 : vector<1x1024xf32> to vector<256x1024xf32>
    %div3A_9 = arith.divf %get3A_3, %div3A : vector<256x1024xf32>
    %get3A_10 = arith.constant 0 : index
    %get3A_11 = arith.constant 0 : index
    %get3A_12 = arith.constant 0 : index
    %get3A_13 = vector.load %arg3[%get3A_10, %get3A_11, %get3A_12] : memref<1x1x1024xf32, #tpu.memory_space<vmem>>, vector<1x1x1024xf32>
    %get3A_14 = vector.shape_cast %get3A_13 : vector<1x1x1024xf32> to vector<1x1024xf32>
    %get3A_15 = arith.constant 0 : index
    %get3A_16 = arith.constant 0 : index
    %get3A_17 = vector.load %arg4[%get3A_15, %get3A_16] : memref<8192x256xf32, #tpu.memory_space<vmem>>, vector<512x256xf32>
    %dot_general3A = arith.constant dense<0.000000e+00> : vector<512x1024xf32>
    %dot_general3A_18 = tpu.matmul %get3A_17, %div3A_9, %dot_general3A {dimension_numbers = #tpu.dot_dimension_numbers<[1], [0], [0], [1], [0, 0, 1, 1], [], []>, transpose_lhs_hint = false} : vector<512x256xf32>, vector<256x1024xf32>, vector<512x1024xf32> -> vector<512x1024xf32>
    %swap3A = arith.constant 0 : index
    %swap3A_19 = arith.constant 0 : index
    %swap3A_20 = vector.load %arg7[%swap3A, %swap3A_19] : memref<512x1024xf32, #tpu.memory_space<vmem>>, vector<512x1024xf32>
    tpu.vector_store %arg7[%swap3A, %swap3A_19], %dot_general3A_18 {strides = array<i32>} : memref<512x1024xf32, #tpu.memory_space<vmem>>, vector<512x1024xf32>,
    %broadcast_in_dim3A = arith.constant 0x7F800000 : f32
    %broadcast_in_dim3A_21 = vector.broadcast %broadcast_in_dim3A : f32 to vector<1x1024xf32>
    %broadcast_in_dim3A_22 = arith.constant 0 : i32
    %broadcast_in_dim3A_23 = vector.broadcast %broadcast_in_dim3A_22 : i32 to vector<1x1024xi32>
    %scan3A = arith.constant 0 : i32
    %scan3A_24 = arith.constant 8 : i32
    %scan3A_25 = arith.addi %scan3A, %scan3A_24 : i32
    %scan3A_26 = arith.constant 1 : i32
    %scan3A_27:2 = scf.for %scan3A_35 = %scan3A to %scan3A_25 step %scan3A_26 iter_args(%scan3A_36 = %broadcast_in_dim3A_21, %scan3A_37 = %broadcast_in_dim3A_23) -> (vector<1x1024xf32>, vector<1x1024xi32>)  : i32 {
      %mul3A = arith.constant 2 : i32
      %mul3A_38 = arith.muli %mul3A, %scan3A_35 : i32
      %add3A = arith.constant 1 : i32
      %add3A_39 = arith.addi %mul3A_38, %add3A : i32
      %mul3A_40 = arith.constant 512 : i32
      %mul3A_41 = arith.muli %add3A_39, %mul3A_40 : i32
      %get3A_42 = arith.index_cast %mul3A_41 : i32 to index
      %get3A_43 = arith.constant 0 : index
      %get3A_44 = vector.load %arg4[%get3A_42, %get3A_43] : memref<8192x256xf32, #tpu.memory_space<vmem>>, vector<512x256xf32>
      %dot_general3A_45 = arith.constant dense<0.000000e+00> : vector<512x1024xf32>
      %dot_general3A_46 = tpu.matmul %get3A_44, %div3A_9, %dot_general3A_45 {dimension_numbers = #tpu.dot_dimension_numbers<[1], [0], [0], [1], [0, 0, 1, 1], [], []>, transpose_lhs_hint = false} : vector<512x256xf32>, vector<256x1024xf32>, vector<512x1024xf32> -> vector<512x1024xf32>
      %swap3A_47 = arith.constant 0 : index
      %swap3A_48 = arith.constant 0 : index
      %swap3A_49 = vector.load %arg8[%swap3A_47, %swap3A_48] : memref<512x1024xf32, #tpu.memory_space<vmem>>, vector<512x1024xf32>
      tpu.vector_store %arg8[%swap3A_47, %swap3A_48], %dot_general3A_46 {strides = array<i32>} : memref<512x1024xf32, #tpu.memory_space<vmem>>, vector<512x1024xf32>,
      %mul3A_50 = arith.constant 512 : i32
      %mul3A_51 = arith.muli %mul3A_38, %mul3A_50 : i32
      %get3A_52 = arith.index_cast %mul3A_51 : i32 to index
      %get3A_53 = arith.constant 0 : index
      %get3A_54 = vector.load %arg5[%get3A_52, %get3A_53] : memref<8192x1xf32, #tpu.memory_space<vmem>>, vector<512x1xf32>
      %add3A_55 = vector.broadcast %get3A_14 : vector<1x1024xf32> to vector<512x1024xf32>
      %add3A_56 = vector.broadcast %get3A_54 : vector<512x1xf32> to vector<512x1024xf32>
      %add3A_57 = arith.addf %add3A_55, %add3A_56 : vector<512x1024xf32>
      %get3A_58 = arith.constant 0 : index
      %get3A_59 = arith.constant 0 : index
      %get3A_60 = vector.load %arg7[%get3A_58, %get3A_59] : memref<512x1024xf32, #tpu.memory_space<vmem>>, vector<512x1024xf32>
      %mul3A_61 = arith.constant 2.000000e+00 : f32
      %mul3A_62 = vector.broadcast %mul3A_61 : f32 to vector<512x1024xf32>
      %mul3A_63 = arith.mulf %mul3A_62, %get3A_60 : vector<512x1024xf32>
      %sub3A = arith.subf %add3A_57, %mul3A_63 : vector<512x1024xf32>
      %reduce_min3A = arith.constant dense<0x7F800000> : vector<1024xf32>
      %reduce_min3A_64 = vector.multi_reduction <minimumf>, %sub3A, %reduce_min3A [0] : vector<512x1024xf32> to vector<1024xf32>
      %broadcast_in_dim3A_65 = vector.shape_cast %reduce_min3A_64 : vector<1024xf32> to vector<1x1024xf32>
      %argmin3A = tpu.reduce_index %sub3A {axis = 0 : i32, kind = #tpu.reduction_kind<arg_min>} : vector<512x1024xf32> -> vector<1024xi32>
      %broadcast_in_dim3A_66 = vector.shape_cast %argmin3A : vector<1024xi32> to vector<1x1024xi32>
      %mul3A_67 = arith.constant 512 : i32
      %mul3A_68 = arith.muli %mul3A_38, %mul3A_67 : i32
      %add3A_69 = vector.broadcast %mul3A_68 : i32 to vector<1x1024xi32>
      %add3A_70 = arith.addi %broadcast_in_dim3A_66, %add3A_69 : vector<1x1024xi32>
      %lt3A = arith.cmpf olt, %broadcast_in_dim3A_65, %scan3A_36 : vector<1x1024xf32>
      %select_n3A = arith.select %lt3A, %broadcast_in_dim3A_65, %scan3A_36 : vector<1x1024xi1>, vector<1x1024xf32>
      %select_n3A_71 = arith.select %lt3A, %add3A_70, %scan3A_37 : vector<1x1024xi1>, vector<1x1024xi32>
      %add3A_72 = arith.constant 2 : i32
      %add3A_73 = arith.addi %mul3A_38, %add3A_72 : i32
      %jit3A = arith.constant 16 : i32
      %eq3A = arith.constant 0 : i32
      %eq3A_74 = arith.cmpi eq, %jit3A, %eq3A : i32
      %jit3A_75 = arith.constant 1 : i32
      %select_n3A_76 = arith.select %eq3A_74, %jit3A_75, %jit3A : i32
      %rem3A = arith.remsi %add3A_73, %select_n3A_76 : i32
      %ne3A = arith.constant 0 : i32
      %ne3A_77 = arith.cmpi ne, %rem3A, %ne3A : i32
      %lt3A_78 = arith.constant 0 : i32
      %lt3A_79 = arith.cmpi slt, %rem3A, %lt3A_78 : i32
      %lt3A_80 = arith.constant 0 : i32
      %lt3A_81 = arith.cmpi slt, %select_n3A_76, %lt3A_80 : i32
      %ne3A_82 = arith.xori %lt3A_79, %lt3A_81 : i1
      %and3A = arith.andi %ne3A_82, %ne3A_77 : i1
      %add3A_83 = arith.addi %rem3A, %select_n3A_76 : i32
      %select_n3A_84 = arith.select %and3A, %add3A_83, %rem3A : i32
      %mul3A_85 = arith.constant 512 : i32
      %mul3A_86 = arith.muli %select_n3A_84, %mul3A_85 : i32
      %get3A_87 = arith.index_cast %mul3A_86 : i32 to index
      %get3A_88 = arith.constant 0 : index
      %get3A_89 = vector.load %arg4[%get3A_87, %get3A_88] : memref<8192x256xf32, #tpu.memory_space<vmem>>, vector<512x256xf32>
      %dot_general3A_90 = arith.constant dense<0.000000e+00> : vector<512x1024xf32>
      %dot_general3A_91 = tpu.matmul %get3A_89, %div3A_9, %dot_general3A_90 {dimension_numbers = #tpu.dot_dimension_numbers<[1], [0], [0], [1], [0, 0, 1, 1], [], []>, transpose_lhs_hint = false} : vector<512x256xf32>, vector<256x1024xf32>, vector<512x1024xf32> -> vector<512x1024xf32>
      %swap3A_92 = arith.constant 0 : index
      %swap3A_93 = arith.constant 0 : index
      %swap3A_94 = vector.load %arg7[%swap3A_92, %swap3A_93] : memref<512x1024xf32, #tpu.memory_space<vmem>>, vector<512x1024xf32>
      tpu.vector_store %arg7[%swap3A_92, %swap3A_93], %dot_general3A_91 {strides = array<i32>} : memref<512x1024xf32, #tpu.memory_space<vmem>>, vector<512x1024xf32>,
      %add3A_95 = arith.constant 1 : i32
      %add3A_96 = arith.addi %mul3A_38, %add3A_95 : i32
      %mul3A_97 = arith.constant 512 : i32
      %mul3A_98 = arith.muli %add3A_96, %mul3A_97 : i32
      %get3A_99 = arith.index_cast %mul3A_98 : i32 to index
      %get3A_100 = arith.constant 0 : index
      %get3A_101 = vector.load %arg5[%get3A_99, %get3A_100] : memref<8192x1xf32, #tpu.memory_space<vmem>>, vector<512x1xf32>
      %add3A_102 = vector.broadcast %get3A_14 : vector<1x1024xf32> to vector<512x1024xf32>
      %add3A_103 = vector.broadcast %get3A_101 : vector<512x1xf32> to vector<512x1024xf32>
      %add3A_104 = arith.addf %add3A_102, %add3A_103 : vector<512x1024xf32>
      %get3A_105 = arith.constant 0 : index
      %get3A_106 = arith.constant 0 : index
      %get3A_107 = vector.load %arg8[%get3A_105, %get3A_106] : memref<512x1024xf32, #tpu.memory_space<vmem>>, vector<512x1024xf32>
      %mul3A_108 = arith.constant 2.000000e+00 : f32
      %mul3A_109 = vector.broadcast %mul3A_108 : f32 to vector<512x1024xf32>
      %mul3A_110 = arith.mulf %mul3A_109, %get3A_107 : vector<512x1024xf32>
      %sub3A_111 = arith.subf %add3A_104, %mul3A_110 : vector<512x1024xf32>
      %reduce_min3A_112 = arith.constant dense<0x7F800000> : vector<1024xf32>
      %reduce_min3A_113 = vector.multi_reduction <minimumf>, %sub3A_111, %reduce_min3A_112 [0] : vector<512x1024xf32> to vector<1024xf32>
      %broadcast_in_dim3A_114 = vector.shape_cast %reduce_min3A_113 : vector<1024xf32> to vector<1x1024xf32>
      %argmin3A_115 = tpu.reduce_index %sub3A_111 {axis = 0 : i32, kind = #tpu.reduction_kind<arg_min>} : vector<512x1024xf32> -> vector<1024xi32>
      %broadcast_in_dim3A_116 = vector.shape_cast %argmin3A_115 : vector<1024xi32> to vector<1x1024xi32>
      %mul3A_117 = arith.constant 512 : i32
      %mul3A_118 = arith.muli %add3A_96, %mul3A_117 : i32
      %add3A_119 = vector.broadcast %mul3A_118 : i32 to vector<1x1024xi32>
      %add3A_120 = arith.addi %broadcast_in_dim3A_116, %add3A_119 : vector<1x1024xi32>
      %lt3A_121 = arith.cmpf olt, %broadcast_in_dim3A_114, %select_n3A : vector<1x1024xf32>
      %select_n3A_122 = arith.select %lt3A_121, %broadcast_in_dim3A_114, %select_n3A : vector<1x1024xi1>, vector<1x1024xf32>
      %select_n3A_123 = arith.select %lt3A_121, %add3A_120, %select_n3A_71 : vector<1x1024xi1>, vector<1x1024xi32>
      scf.yield %select_n3A_122, %select_n3A_123 : vector<1x1024xf32>, vector<1x1024xi32>
    }
    %scan3A_28 = arith.constant 8 : i32
    %swap3A_29 = arith.constant 0 : index
    %swap3A_30 = arith.constant 0 : index
    %swap3A_31 = arith.constant 0 : index
    %swap3A_32 = vector.load %arg6[%swap3A_29, %swap3A_30, %swap3A_31] : memref<1x1x1024xi32, #tpu.memory_space<vmem>>, vector<1x1x1024xi32>
    %swap3A_33 = vector.shape_cast %swap3A_32 : vector<1x1x1024xi32> to vector<1x1024xi32>
    %swap3A_34 = vector.shape_cast %scan3A_27#1 : vector<1x1024xi32> to vector<1x1x1024xi32>
    tpu.vector_store %arg6[%swap3A_29, %swap3A_30, %swap3A_31], %swap3A_34 {strides = array<i32>} : memref<1x1x1024xi32, #tpu.memory_space<vmem>>, vector<1x1x1024xi32>,
    return
  }
  func.func @transform_0(%arg0: i32) -> (i32, i32, i32) {
    %c0_i32 = arith.constant 0 : i32
    %c0_i32_0 = arith.constant 0 : i32
    %c0_i32_1 = arith.constant 0 : i32
    return %arg0, %c0_i32, %c0_i32_0 : i32, i32, i32
  }
  func.func @transform_1(%arg0: i32) -> (i32, i32, i32) {
    %c0_i32 = arith.constant 0 : i32
    %c0_i32_0 = arith.constant 0 : i32
    %c0_i32_1 = arith.constant 0 : i32
    return %arg0, %c0_i32, %c0_i32_0 : i32, i32, i32
  }
  func.func @transform_2(%arg0: i32) -> (i32, i32, i32) {
    %c0_i32 = arith.constant 0 : i32
    %c0_i32_0 = arith.constant 0 : i32
    %c0_i32_1 = arith.constant 0 : i32
    return %arg0, %c0_i32, %c0_i32_0 : i32, i32, i32
  }
  func.func @transform_3(%arg0: i32) -> (i32, i32) {
    %c0_i32 = arith.constant 0 : i32
    %c0_i32_0 = arith.constant 0 : i32
    %c0_i32_1 = arith.constant 0 : i32
    return %c0_i32, %c0_i32_0 : i32, i32
  }
  func.func @transform_4(%arg0: i32) -> (i32, i32) {
    %c0_i32 = arith.constant 0 : i32
    %c0_i32_0 = arith.constant 0 : i32
    %c0_i32_1 = arith.constant 0 : i32
    return %c0_i32, %c0_i32_0 : i32, i32
  }
  func.func @transform_5(%arg0: i32) -> (i32, i32, i32) {
    %c0_i32 = arith.constant 0 : i32
    %c0_i32_0 = arith.constant 0 : i32
    %c0_i32_1 = arith.constant 0 : i32
    return %arg0, %c0_i32, %c0_i32_0 : i32, i32, i32
  }
}

</mosaic_0001>

<sc_bundles>
// kernel: kernel.4.cloned.1.call-start
scs
__scs_entry_jumppad:
0x0: {  	(pc) =	sbr.rel $0x88, $3  }
0x1: {  	(tag) =	ssettag $0x0;
	lr =	simm.s32 $0x1  }
0x2: {  	[smem:$0x3F9F] =	sst lr;
	_ =	strace $0xD0000000  }
0x3: {  	_ = 	snop  }
0x4: {  	_ = 	snop  }
0x5: {  	_ = 	snop  }
0x6: {  	_ = 	snop  }
0x7: {  	_ = 	snop  }
__scs_overlays_trampoline_lowered:
0x8: {  	[smem:$0x3FAE] =	sst s0  }
0x9: {  	[smem:$0x3FAF] =	sst s1  }
0xa: {  	[smem:$0x3FB0] =	sst s2  }
0xb: {  	[smem:$0x3FB1] =	sst s3  }
0xc: {  	[smem:$0x3FB2] =	sst s4  }
0xd: {  	[smem:$0x3FB3] =	sst s5  }
0xe: {  	[smem:$0x3FB4] =	sst s6  }
0xf: {  	[smem:$0x3FB5] =	sst s7  }
0x10: {  	[smem:$0x3FB6] =	sst s8  }
0x11: {  	[smem:$0x3FB7] =	sst s9;
	s0 =	simm.s32 @!p0 $0x0  }
0x12: {  	s1 =	sld [smem:$0x3F9D];
	s0 =	simm.s32 @p0 $0x1  }
0x13: {  	[smem:$0x3FB8] =	sst s0;
	s0 =	simm.s32 @!p1 $0x0  }
0x14: {  	s2 =	sld [smem:$0x3F9C];
	s0 =	simm.s32 @p1 $0x1  }
0x15: {  	[smem:$0x3FB9] =	sst s0;
	s0 =	simm.s32 @!p2 $0x0  }
0x16: {  	s3 =	sld [smem:$0x3FDB];
	s0 =	simm.s32 @p2 $0x1  }
0x17: {  	s4 =	simm.s32 $0x1BF5;
	[smem:$0x3FBB] =	sst s0  }
0x18: {  	s0 =	sld [smem:$0x3F9E];
	_ =	swait.ge [sflag:s4], $0x0  }
0x19: {  	s7 =	sld [smem:$0x3F9F]  }
0x1a: {  	s8 =	sadd.s32 $0xFFFFE003, lr  }
0x1b: {  	s9 =	sadd.s32 $0xFFFFFEF7, lr;
	s5 =	simm.s32 $0xFFFFFFFF;
	p2 =	slt.u32 s8, $0xFFFFF086  }
0x1c: {  	p1 =	slt.u32 s9, $0xF7A;
	s5 =	simm.s32 @!p2 $0x0  }
0x1d: {  	s5 =	simm.s32 @p1 $0x1;
	p0 =	seq.s32 s7, s2  }
0x1e: {  	s7 =	smul.u32 @!p0 $0xF7A, s2;
	p2 =	seq.s32 @!p0 s5, $0x0  }
0x1f: {  	s9 =	smul.u32 $0xF7A, s1;
	s8 =	simm.s32 @!p0 $0x1BF5;
	p2 =	por !p2, p0  }
0x20: {  	[sflag:s8] =	ssyncset.s32 @!p0 $0xFFFFF086;
	s6 =	sadd.s32 @!p0 s3, s7;
	s7 =	simm.s32 @!p0 $0x108  }
0x21: {  	s3 =	sadd.s32 s3, s9;
	s6 =	sadd.s32 @!p0 $0x88, s6;
	s7 =	simm.s32 @p2 $0x1082  }
0x22: {  	[simem:s7], [sflag:s8] =	dma.local @!p0 [hbm:s6], $0xF7A  }
0x23: {  	s9 =	sor.u32 $0xD0000000, s2;
	s6 =	simm.s32 $0x108;
	_ =	swait.ge @!p0 [sflag:s8], $0x0  }
0x24: {  	s3 =	sadd.s32 $0x88, s3;
	s6 =	simm.s32 @!p1 $0x1082;
	[sflag:s4] =	ssyncset.s32 $0xFFFFF086  }
0x25: {  	[simem:s6], [sflag:s4] =	dma.local [hbm:s3], $0xF7A  }
0x26: {  	[smem:$0x3F9F] =	sst s1;
	(tag) =	ssettag s2;
	_ =	strace s9  }
0x27: {  	s1 =	sld [smem:$0x3FAF]  }
0x28: {  	s2 =	sld [smem:$0x3FB0]  }
0x29: {  	s4 =	sld [smem:$0x3FB2]  }
0x2a: {  	p0 =	seq.s32 s5, $0x0;
	s5 =	sld [smem:$0x3FB3]  }
0x2b: {  	s6 =	sld [smem:$0x3FB4]  }
0x2c: {  	s7 =	sld [smem:$0x3FB5]  }
0x2d: {  	s3 =	simm.s32 $0x108;
	s8 =	sld [smem:$0x3FB6]  }
0x2e: {  	s3 =	simm.s32 @!p0 $0x1082;
	s9 =	sld [smem:$0x3FB7]  }
0x2f: {  	lr =	sadd.s32 s0, s3;
	s0 =	sld [smem:$0x3FAE]  }
0x30: {  	s3 =	sld [smem:$0x3FB1]  }
0x31: {  	[smem:$0x3FBA] =	sst s10  }
0x32: {  	s10 =	sld [smem:$0x3FB8];
	_ =	sdelay $0x3  }
0x33: {  	p0 =	seq.s32 s10, $0x1;
	s10 =	sld [smem:$0x3FBA];
	_ =	sdelay $0x3  }
0x34: {  	[smem:$0x3FBA] =	sst s10  }
0x35: {  	s10 =	sld [smem:$0x3FB9];
	_ =	sdelay $0x3  }
0x36: {  	p1 =	seq.s32 s10, $0x1;
	s10 =	sld [smem:$0x3FBA];
	_ =	sdelay $0x3  }
0x37: {  	[smem:$0x3FBA] =	sst s10  }
0x38: {  	s10 =	sld [smem:$0x3FBB]  }
0x39: {  	_ = 	snop;
	(pc) =	sbr.ind lr, $3  }
0x3a: {  	_ = 	snop  }
0x3b: {  	_ = 	snop  }
0x3c: {  	p2 =	seq.s32 s10, $0x1;
	s10 =	sld [smem:$0x3FBA]  }
0x3d: {  	_ =	shalt  }
0x3e: {  	_ =	shalt  }
0x3f: {  	_ =	shalt  }
0x40: {  	_ =	shalt  }
0x41: {  	_ =	shalt  }
0x42: {  	_ =	shalt  }
0x43: {  	_ =	shalt  }
0x44: {  	_ =	shalt  }
0x45: {  	_ =	shalt  }
0x46: {  	_ =	shalt  }
0x47: {  	_ =	shalt  }
0x48: {  	_ =	shalt  }
0x49: {  	_ =	shalt  }
0x4a: {  	_ =	shalt  }
0x4b: {  	_ =	shalt  }
0x4c: {  	_ =	shalt  }
0x4d: {  	_ =	shalt  }
0x4e: {  	_ =	shalt  }
0x4f: {  	_ =	shalt  }
0x50: {  	_ =	shalt  }
0x51: {  	_ =	shalt  }
0x52: {  	_ =	shalt  }
0x53: {  	_ =	shalt  }
0x54: {  	_ =	shalt  }
0x55: {  	_ =	shalt  }
0x56: {  	_ =	shalt  }
0x57: {  	_ =	shalt  }
0x58: {  	_ =	shalt  }
0x59: {  	_ =	shalt  }
0x5a: {  	_ =	shalt  }
0x5b: {  	_ =	shalt  }
0x5c: {  	_ =	shalt  }
0x5d: {  	_ =	shalt  }
0x5e: {  	_ =	shalt  }
0x5f: {  	_ =	shalt  }
0x60: {  	_ =	shalt  }
0x61: {  	_ =	shalt  }
0x62: {  	_ =	shalt  }
0x63: {  	_ =	shalt  }
0x64: {  	_ =	shalt  }
0x65: {  	_ =	shalt  }
0x66: {  	_ =	shalt  }
0x67: {  	_ =	shalt  }
0x68: {  	_ =	shalt  }
0x69: {  	_ =	shalt  }
0x6a: {  	_ =	shalt  }
0x6b: {  	_ =	shalt  }
0x6c: {  	_ =	shalt  }
0x6d: {  	_ =	shalt  }
0x6e: {  	_ =	shalt  }
0x6f: {  	_ =	shalt  }
0x70: {  	_ =	shalt  }
0x71: {  	_ =	shalt  }
0x72: {  	_ =	shalt  }
0x73: {  	_ =	shalt  }
0x74: {  	_ =	shalt  }
0x75: {  	_ =	shalt  }
0x76: {  	_ =	shalt  }
0x77: {  	_ =	shalt  }
0x78: {  	_ =	shalt  }
0x79: {  	_ =	shalt  }
0x7a: {  	_ =	shalt  }
0x7b: {  	_ =	shalt  }
0x7c: {  	_ =	shalt  }
0x7d: {  	_ =	shalt  }
0x7e: {  	_ =	shalt  }
0x7f: {  	_ =	shalt  }
0x80: {  	_ =	shalt  }
0x81: {  	_ =	shalt  }
0x82: {  	_ =	shalt  }
0x83: {  	_ =	shalt  }
0x84: {  	_ =	shalt  }
0x85: {  	_ =	shalt  }
0x86: {  	_ =	shalt  }
0x87: {  	_ =	shalt  }
.Lfunc_end0:
.L_simem_size_0:
called_computation_lowered:
.L_overlay_start_0:
0x88: {  	s2 =	sld [smem:$0x3FD9]  }
0x89: {  	s3 =	sld [smem:$0x3FFE];
	_ =	sdelay $0x1  }
0x8a: {  	s1 =	srdreg.scid  }
0x8b: {  	s0 =	sand.u32 $0x1, s1  }
0x8c: {  	s14 =	sshll.u32 s0, $0xA;
	s2 =	sadd.s32 s3, s2  }
0x8d: {  	s2 =	sadd.s32 s2, s14  }
0x8e: {  	[smem:$0x3FC6] =	sst s2  }
0x8f: {  	_ = 	snop  }
0x90: {  	s2 =	sld [smem:$0x3FD0];
	_ =	sdelay $0x2  }
0x91: {  	s15 =	simm.s32 $0xA;
	s4 =	simm.s32 $0x10  }
0x92: {  	[smem:s4], [sflag:s15] =	dma.local [hbm:s2], $0x1  }
0x93: {  	_ =	swait.eq [sflag:s15], $0x1  }
0x94: {  	[sflag:s15] =	ssyncset.done $0x0  }
0x95: {  	s16 =	sld [smem:$0x10];
	[sflag:s15] =	ssyncadd.s32 $0xFFFFFFFF  }
0x96: {  	s17 =	sld [smem:$0x11];
	(tm) =	ssettm $0x1  }
0x97: {  	s18 =	sld [smem:$0x3FFB];
	_ =	sdelay $0x3  }
0x98: {  	_ =	strace s18  }
0x99: {  	s4 =	sld [smem:$0x3FFC];
	_ =	sdelay $0x3  }
0x9a: {  	_ =	strace s4  }
0x9b: {  	s4 =	sld [smem:$0x3FFD];
	_ =	sdelay $0x3  }
0x9c: {  	_ =	strace s4  }
0x9d: {  	_ =	strace $0x8FFFFFFF  }
0x9e: {  	s19 =	sld [smem:$0x3FDB];
	_ =	sdelay $0x1  }
0x9f: {  	s5 =	simm.s32 $_scs_section_size  }
0xa0: {  	s6 =	simm.s32 $_size__tile_overlayer_lowered;
	s7 =	simm.s32 $_tile_overlayer_lowered  }
0xa1: {  	s22 =	simm.s32 $0x1BFF;
	s21 =	sshll.u32 s7, $0x1;
	s4 =	sadd.s32 s5, s19  }
0xa2: {  	s8 =	simm.s32 $0x0;
	s20 =	sshll.u32 s6, $0x1;
	s6 =	sadd.s32 s21, s4  }
0xa3: {  	[timem:s8], [sflag:s22] =	dma.local [hbm:s6], s20  }
0xa4: {  	_ =	swait.ge [sflag:s22], s20  }
0xa5: {  	s5 =	ssub.s32 $0x0, s20;
	[sflag:s22] =	ssyncset.done $0x0  }
0xa6: {  	[sflag:s22] =	ssyncadd.s32 s5;
	_ =	sdelay $0x1  }
0xa7: {  	s23 =	simm.s32 $0x1B8B  }
0xa8: {  	_ =	swait.ge [sflag:s23], $0x1  }
0xa9: {  	[sflag:s23] =	ssyncset.done $0x0  }
0xaa: {  	s25 =	simm.s32 $0x1B8E;
	s24 =	sld [smem:$0x3FFE];
	[sflag:s23] =	ssyncadd.s32 $0xFFFFFFFF  }
0xab: {  	s26 =	simm.s32 $execute0_lowered;
	[smem:$0x3FD2] =	sst s25  }
0xac: {  	s6 =	sshll.u32 s26, $0x1;
	_ =	strace $0x80000046;
	[dreg:$0x1] =	wrdreg $0xFFFFFFFF  }
0xad: {  	s28 =	simm.s32 $_size_execute0_lowered;
	s4 =	sadd.s32 s4, s6;
	[dreg:$0x0] =	wrdreg $0x0  }
0xae: {  	s6 =	sshll.u32 s28, $0x1;
	[dreg:$0x2] =	wrdreg s4  }
0xaf: {  	[dreg:$0x3] =	wrdreg s6  }
0xb0: {  	[dreg:$0x4] =	wrdreg $0xC0  }
0xb1: {  	_ =	task [dreg:s8], $0x5FFFF  }
0xb2: {  	[dreg:$0x1] =	wrdreg $0xFFFFFFFF  }
0xb3: {  	[dreg:$0x0] =	wrdreg $0x60  }
0xb4: {  	[dreg:$0x2] =	wrdreg s24  }
0xb5: {  	[dreg:$0x3] =	wrdreg s17  }
0xb6: {  	[dreg:$0x4] =	wrdreg s16  }
0xb7: {  	[dreg:$0x5] =	wrdreg $0x9  }
0xb8: {  	_ =	task.clear_ibuf [dreg:s8], $0x6FFFF;
	_ =	strace $0x90000046  }
0xb9: {  	s29 =	simm.s32 $0x9;
	_ =	strace $0x80000048  }
0xba: {  	_ =	swait.ge [sflag:s29], $0x1  }
0xbb: {  	[sflag:s29] =	ssyncadd.s32 $0xFFFFFFFF  }
0xbc: {  	_ =	strace $0x90000048  }
0xbd: {  	_ =	sfence  }
0xbe: {  	s30 =	sld [smem:$0x0];
	_ =	sdelay $0x2  }
0xbf: {  	s31 =	sshll.u32 s1, $0xD;
	s1 =	sshrl.u32 s1, $0x2  }
0xc0: {  	s3 =	sand.u32 $0x4000, s31;
	s1 =	sadd.s32 s1, s30  }
0xc1: {  	s0 =	sor.u32 s3, s0;
	s1 =	sshll.u32 s1, $0x11  }
0xc2: {  	s0 =	sor.u32 s1, s0  }
0xc3: {  	s0 =	sadd.s32 $0x8F2B, s0  }
0xc4: {  	[sflag:s0] =	ssyncadd.remote.s32 $0x1  }
0xc5: {  	_ =	sfence.sel $0xFFFF  }
0xc6: {  	[dreg:$0x0] =	wrdreg $0xFFFFFFFF;
	(pc) =	sbr.abs _section_cstart, $3  }
0xc7: {  	[dreg:$0x1] =	wrdreg $0xFFFFFFFF  }
0xc8: {  	_ =	task.clear_ibuf [dreg:s8], $0x2FFFF;
	_ =	strace $0x9FFFFFFF  }
0xc9: {  	(tm) =	ssettm $0x7FFFFFFF  }
tec
execute0_lowered:
.L_overlay_start_1:
0x0: {  	(tag) =	ssettag $0x1  }
0x1: {  	s1 =	rddreg [dreg:$0x0]  }
0x2: {  	s2 =	srdreg.scid;
	s4 =	rddreg [dreg:$0x1]  }
0x3: {  	s0 =	stileid.u32;
	s6 =	rddreg [dreg:$0x2];
	s17 =	simm.s32 $0x900  }
0x4: {  	s18 =	simm.s32 $0x1100;
	s19 =	simm.s32 $0x1900;
	s20 =	simm.s32 $0x2100  }
0x5: {  	s21 =	simm.s32 $0x2900;
	s22 =	simm.s32 $0x3100;
	s24 =	simm.s32 $0x3900  }
0x6: {  	s25 =	simm.s32 $0x4100;
	s26 =	simm.s32 $0x4900;
	s2 =	sand.u32 $0x1, s2  }
0x7: {  	s9 =	simm.s32 $0x5900;
	s3 =	sshll.u32 s0, $0x9;
	s5 =	sshll.u32 s2, $0x8  }
0x8: {  	s10 =	simm.s32 $0x6100;
	s5 =	sor.u32 s5, s3;
	s3 =	simm.s32 $0x0  }
0x9: {  	s11 =	simm.s32 $0x6900;
	s12 =	simm.s32 $0x7100;
	[smem:$0x7FF] =	sst s3  }
0xa: {  	s13 =	simm.s32 $0x7900;
	_ =	strace $0x80000047;
	[dreg:$0x6] =	wrdreg s17  }
0xb: {  	s14 =	simm.s32 $0x1;
	s15 =	simm.s32 $0x80;
	[dreg:$0x7] =	wrdreg s18  }
0xc: {  	s16 =	simm.s32 $0x8100;
	s28 =	simm.s32 $0xD900;
	[dreg:$0x8] =	wrdreg s19  }
0xd: {  	s29 =	simm.s32 $0xE100;
	s30 =	simm.s32 $0xE900;
	[dreg:$0x9] =	wrdreg s20  }
0xe: {  	s31 =	simm.s32 $0xF100;
	s2 =	ssub.s32 $0x2, s2;
	[dreg:$0xa] =	wrdreg s21  }
0xf: {  	s23 =	sshrl.u32 s2, $0x1;
	s7 =	sshrl.u32 s5, $0x3;
	[dreg:$0xb] =	wrdreg s22  }
0x10: {  	s5 =	sshll.u32 s5, $0x5;
	s2 =	ssub.s32 s2, s23;
	[dreg:$0xc] =	wrdreg s24  }
0x11: {  	s23 =	simm.s32 $0xB900;
	s4 =	sadd.s32 s4, s7;
	[dreg:$0xd] =	wrdreg s25  }
0x12: {  	s5 =	sadd.s32 s6, s5;
	s6 =	simm.s32 $0x2;
	[dreg:$0xe] =	wrdreg s26  }
0x13: {  	s17 =	simm.s32 $0x8900;
	s18 =	simm.s32 $0x9100;
	s19 =	simm.s32 $0x9900  }
0x14: {  	s20 =	simm.s32 $0xA100;
	s21 =	simm.s32 $0xA900;
	s22 =	simm.s32 $0xB100  }
0x15: {  	v2 =	vlaneseq.u32;
	s24 =	simm.s32 $0xC100;
	s25 =	simm.s32 $0xC900;
	s26 =	simm.s32 $0xD100  }
0x16: {  	vm0 =	vmmov $0xffff;
	v1 =	vshrl.u32 v2, $0x3;
	s7 =	sadd.s32 $0x10, s4;
	[dreg:$0x5] =	wrdreg s5;
	s5 =	smax.u32 s2, $0x1  }
0x17: {  	v0 =	vand.u32 $0x7, v2;
	v2 =	vor.u32 $0x8, v2;
	v1 =	vmul.u32 $0x8, v1;
	s2 =	simm.s32 $0xF900;
	[dreg:$0x4] =	wrdreg s7;
	s7 =	simm.s32 $0x100  }
.LBB2_1:
0x18: {  	[tilespmem:s3], [sflag:$0x2] =	stream.linear.gather [hbm4b:s4+s3], $0x80, $0x38;
	[tilespmem:$0x10100] =	vst v63  }
0x19: {  	_ =	swait.ge [sflag:s6], $0x80  }
0x1a: {  	[sflag:s6] =	ssyncset.done $0x0  }
0x1b: {  	[sflag:s6] =	ssyncadd.s32 $0xFFFFFF80  }
0x1c: {  	v3 =	vld [tilespmem:$0x0];
	_ =	sdelay $0x4  }
0x1d: {  	v4 =	vshll.u32 v3, $0x1  }
0x1e: {  	v3 =	vand.u32 $0x7, v3;
	v4 =	vand.u32 $0xFFFFFFF0, v4  }
0x1f: {  	v3 =	vor.u32 v3, v4  }
0x20: {  	v4 =	vperm.xlane v3, v0;
	_ =	sdelay $0x1  }
0x21: {  	v3 =	vperm.xlane v3, v2;
	v4 =	vadd.s32 v1, v4;
	_ =	sdelay $0x1  }
0x22: {  	v3 =	vadd.s32 v1, v3;
	_ =	sdelay $0x2  }
0x23: {  	[tilespmem:s7], [sflag:$0x1] =	stream.indirect_vreg.gather [hbm4b:s1+s3], $0x80, v4, vm0, $0xb8;
	[tilespmem:$0x10100] =	vst v63  }
0x24: {  	s0 =	rddreg [dreg:$0x6]  }
0x25: {  	[tilespmem:s0], [sflag:$0x1] =	stream.indirect_vreg.gather [hbm4b:s1+s3], $0x80, v3, vm0, $0xb8;
	[tilespmem:$0x10100] =	vst v63  }
0x26: {  	v3 =	vld [tilespmem:$0x10];
	_ =	sdelay $0x4  }
0x27: {  	v49 =	vshll.u32 v3, $0x1  }
0x28: {  	v3 =	vand.u32 $0x7, v3;
	v4 =	vand.u32 $0xFFFFFFF0, v49  }
0x29: {  	v3 =	vor.u32 v3, v4  }
0x2a: {  	v4 =	vperm.xlane v3, v0;
	_ =	sdelay $0x1  }
0x2b: {  	v3 =	vperm.xlane v3, v2;
	v4 =	vadd.s32 v1, v4;
	_ =	sdelay $0x1  }
0x2c: {  	v3 =	vadd.s32 v1, v3;
	_ =	sdelay $0x1  }
0x2d: {  	s0 =	rddreg [dreg:$0x7]  }
0x2e: {  	[tilespmem:s0], [sflag:$0x1] =	stream.indirect_vreg.gather [hbm4b:s1+s3], $0x80, v4, vm0, $0xb8;
	[tilespmem:$0x10100] =	vst v63  }
0x2f: {  	s8 =	rddreg [dreg:$0x8]  }
0x30: {  	[tilespmem:s8], [sflag:$0x1] =	stream.indirect_vreg.gather [hbm4b:s1+s3], $0x80, v3, vm0, $0xb8;
	[tilespmem:$0x10100] =	vst v63  }
0x31: {  	v3 =	vld [tilespmem:$0x20];
	_ =	sdelay $0x4  }
0x32: {  	v50 =	vshll.u32 v3, $0x1  }
0x33: {  	v3 =	vand.u32 $0x7, v3;
	v4 =	vand.u32 $0xFFFFFFF0, v50  }
0x34: {  	v3 =	vor.u32 v3, v4  }
0x35: {  	v4 =	vperm.xlane v3, v0;
	_ =	sdelay $0x1  }
0x36: {  	v3 =	vperm.xlane v3, v2;
	v4 =	vadd.s32 v1, v4;
	_ =	sdelay $0x1  }
0x37: {  	v3 =	vadd.s32 v1, v3;
	_ =	sdelay $0x1  }
0x38: {  	s0 =	rddreg [dreg:$0x9]  }
0x39: {  	[tilespmem:s0], [sflag:$0x1] =	stream.indirect_vreg.gather [hbm4b:s1+s3], $0x80, v4, vm0, $0xb8;
	[tilespmem:$0x10100] =	vst v63  }
0x3a: {  	s8 =	rddreg [dreg:$0xa]  }
0x3b: {  	[tilespmem:s8], [sflag:$0x1] =	stream.indirect_vreg.gather [hbm4b:s1+s3], $0x80, v3, vm0, $0xb8;
	[tilespmem:$0x10100] =	vst v63  }
0x3c: {  	v3 =	vld [tilespmem:$0x30];
	_ =	sdelay $0x4  }
0x3d: {  	v51 =	vshll.u32 v3, $0x1  }
0x3e: {  	v3 =	vand.u32 $0x7, v3;
	v4 =	vand.u32 $0xFFFFFFF0, v51  }
0x3f: {  	v3 =	vor.u32 v3, v4  }
0x40: {  	v4 =	vperm.xlane v3, v0;
	_ =	sdelay $0x1  }
0x41: {  	v3 =	vperm.xlane v3, v2;
	v4 =	vadd.s32 v1, v4;
	_ =	sdelay $0x1  }
0x42: {  	v3 =	vadd.s32 v1, v3;
	_ =	sdelay $0x1  }
0x43: {  	s0 =	rddreg [dreg:$0xb]  }
0x44: {  	[tilespmem:s0], [sflag:$0x1] =	stream.indirect_vreg.gather [hbm4b:s1+s3], $0x80, v4, vm0, $0xb8;
	[tilespmem:$0x10100] =	vst v63  }
0x45: {  	s8 =	rddreg [dreg:$0xc]  }
0x46: {  	[tilespmem:s8], [sflag:$0x1] =	stream.indirect_vreg.gather [hbm4b:s1+s3], $0x80, v3, vm0, $0xb8;
	[tilespmem:$0x10100] =	vst v63  }
0x47: {  	v3 =	vld [tilespmem:$0x40];
	_ =	sdelay $0x4  }
0x48: {  	v52 =	vshll.u32 v3, $0x1  }
0x49: {  	v3 =	vand.u32 $0x7, v3;
	v4 =	vand.u32 $0xFFFFFFF0, v52  }
0x4a: {  	v3 =	vor.u32 v3, v4  }
0x4b: {  	v4 =	vperm.xlane v3, v0;
	_ =	sdelay $0x1  }
0x4c: {  	v3 =	vperm.xlane v3, v2;
	v4 =	vadd.s32 v1, v4;
	_ =	sdelay $0x1  }
0x4d: {  	v3 =	vadd.s32 v1, v3;
	_ =	sdelay $0x1  }
0x4e: {  	s0 =	rddreg [dreg:$0xd]  }
0x4f: {  	[tilespmem:s0], [sflag:$0x1] =	stream.indirect_vreg.gather [hbm4b:s1+s3], $0x80, v4, vm0, $0xb8;
	[tilespmem:$0x10100] =	vst v63  }
0x50: {  	s8 =	rddreg [dreg:$0xe]  }
0x51: {  	[tilespmem:s8], [sflag:$0x1] =	stream.indirect_vreg.gather [hbm4b:s1+s3], $0x80, v3, vm0, $0xb8;
	[tilespmem:$0x10100] =	vst v63  }
0x52: {  	v3 =	vld [tilespmem:$0x50];
	_ =	sdelay $0x4  }
0x53: {  	v53 =	vshll.u32 v3, $0x1  }
0x54: {  	v3 =	vand.u32 $0x7, v3;
	v4 =	vand.u32 $0xFFFFFFF0, v53  }
0x55: {  	v3 =	vor.u32 v3, v4  }
0x56: {  	v4 =	vperm.xlane v3, v0;
	_ =	sdelay $0x1  }
0x57: {  	v3 =	vperm.xlane v3, v2;
	v4 =	vadd.s32 v1, v4;
	_ =	sdelay $0x1  }
0x58: {  	v3 =	vadd.s32 v1, v3;
	_ =	sdelay $0x1  }
0x59: {  	s8 =	simm.s32 $0x5100  }
0x5a: {  	[tilespmem:s8], [sflag:$0x1] =	stream.indirect_vreg.gather [hbm4b:s1+s3], $0x80, v4, vm0, $0xb8;
	[tilespmem:$0x10100] =	vst v63  }
0x5b: {  	_ = 	snop  }
0x5c: {  	[tilespmem:s9], [sflag:$0x1] =	stream.indirect_vreg.gather [hbm4b:s1+s3], $0x80, v3, vm0, $0xb8;
	[tilespmem:$0x10100] =	vst v63  }
0x5d: {  	v3 =	vld [tilespmem:$0x60];
	_ =	sdelay $0x4  }
0x5e: {  	v54 =	vshll.u32 v3, $0x1  }
0x5f: {  	v3 =	vand.u32 $0x7, v3;
	v4 =	vand.u32 $0xFFFFFFF0, v54  }
0x60: {  	v3 =	vor.u32 v3, v4  }
0x61: {  	v4 =	vperm.xlane v3, v0;
	_ =	sdelay $0x1  }
0x62: {  	v3 =	vperm.xlane v3, v2;
	v4 =	vadd.s32 v1, v4;
	_ =	sdelay $0x1  }
0x63: {  	v3 =	vadd.s32 v1, v3;
	_ =	sdelay $0x2  }
0x64: {  	[tilespmem:s10], [sflag:$0x1] =	stream.indirect_vreg.gather [hbm4b:s1+s3], $0x80, v4, vm0, $0xb8;
	[tilespmem:$0x10100] =	vst v63  }
0x65: {  	_ = 	snop  }
0x66: {  	[tilespmem:s11], [sflag:$0x1] =	stream.indirect_vreg.gather [hbm4b:s1+s3], $0x80, v3, vm0, $0xb8;
	[tilespmem:$0x10100] =	vst v63  }
0x67: {  	v3 =	vld [tilespmem:$0x70];
	_ =	sdelay $0x4  }
0x68: {  	v55 =	vshll.u32 v3, $0x1  }
0x69: {  	v3 =	vand.u32 $0x7, v3;
	v4 =	vand.u32 $0xFFFFFFF0, v55  }
0x6a: {  	v3 =	vor.u32 v3, v4  }
0x6b: {  	v4 =	vperm.xlane v3, v0;
	_ =	sdelay $0x1  }
0x6c: {  	v3 =	vperm.xlane v3, v2;
	v4 =	vadd.s32 v1, v4;
	_ =	sdelay $0x1  }
0x6d: {  	v3 =	vadd.s32 v1, v3;
	_ =	sdelay $0x2  }
0x6e: {  	[tilespmem:s12], [sflag:$0x1] =	stream.indirect_vreg.gather [hbm4b:s1+s3], $0x80, v4, vm0, $0xb8;
	[tilespmem:$0x10100] =	vst v63  }
0x6f: {  	_ = 	snop  }
0x70: {  	[tilespmem:s13], [sflag:$0x1] =	stream.indirect_vreg.gather [hbm4b:s1+s3], $0x80, v3, vm0, $0xb8;
	[tilespmem:$0x10100] =	vst v63  }
0x71: {  	_ =	swait.ge [sflag:s14], $0x8000  }
0x72: {  	[sflag:s14] =	ssyncset.done $0x0  }
0x73: {  	s8 =	rddreg [dreg:$0x4];
	[sflag:s14] =	ssyncadd.s32 $0xFFFF8000  }
0x74: {  	[tilespmem:s15], [sflag:$0x2] =	stream.linear.gather [hbm4b:s8+s3], $0x80, $0x38;
	[tilespmem:$0x10100] =	vst v63  }
0x75: {  	_ =	swait.ge [sflag:s6], $0x80  }
0x76: {  	[sflag:s6] =	ssyncset.done $0x0  }
0x77: {  	[sflag:s6] =	ssyncadd.s32 $0xFFFFFF80  }
0x78: {  	v3 =	vld [tilespmem:$0x80];
	_ =	sdelay $0x4  }
0x79: {  	v56 =	vshll.u32 v3, $0x1  }
0x7a: {  	v3 =	vand.u32 $0x7, v3;
	v4 =	vand.u32 $0xFFFFFFF0, v56  }
0x7b: {  	v3 =	vor.u32 v3, v4  }
0x7c: {  	v4 =	vperm.xlane v3, v0;
	_ =	sdelay $0x1  }
0x7d: {  	v3 =	vperm.xlane v3, v2;
	v4 =	vadd.s32 v1, v4;
	_ =	sdelay $0x1  }
0x7e: {  	v3 =	vadd.s32 v1, v3;
	_ =	sdelay $0x2  }
0x7f: {  	[tilespmem:s16], [sflag:$0x1] =	stream.indirect_vreg.gather [hbm4b:s1+s3], $0x80, v4, vm0, $0xb8;
	[tilespmem:$0x10100] =	vst v63  }
0x80: {  	_ = 	snop  }
0x81: {  	[tilespmem:s17], [sflag:$0x1] =	stream.indirect_vreg.gather [hbm4b:s1+s3], $0x80, v3, vm0, $0xb8;
	[tilespmem:$0x10100] =	vst v63  }
0x82: {  	v3 =	vld [tilespmem:$0x90];
	_ =	sdelay $0x4  }
0x83: {  	v57 =	vshll.u32 v3, $0x1  }
0x84: {  	v3 =	vand.u32 $0x7, v3;
	v4 =	vand.u32 $0xFFFFFFF0, v57  }
0x85: {  	v3 =	vor.u32 v3, v4  }
0x86: {  	v4 =	vperm.xlane v3, v0;
	_ =	sdelay $0x1  }
0x87: {  	v3 =	vperm.xlane v3, v2;
	v4 =	vadd.s32 v1, v4;
	_ =	sdelay $0x1  }
0x88: {  	v3 =	vadd.s32 v1, v3;
	_ =	sdelay $0x2  }
0x89: {  	[tilespmem:s18], [sflag:$0x1] =	stream.indirect_vreg.gather [hbm4b:s1+s3], $0x80, v4, vm0, $0xb8;
	[tilespmem:$0x10100] =	vst v63  }
0x8a: {  	_ = 	snop  }
0x8b: {  	[tilespmem:s19], [sflag:$0x1] =	stream.indirect_vreg.gather [hbm4b:s1+s3], $0x80, v3, vm0, $0xb8;
	[tilespmem:$0x10100] =	vst v63  }
0x8c: {  	v3 =	vld [tilespmem:$0xA0];
	_ =	sdelay $0x4  }
0x8d: {  	v58 =	vshll.u32 v3, $0x1  }
0x8e: {  	v3 =	vand.u32 $0x7, v3;
	v4 =	vand.u32 $0xFFFFFFF0, v58  }
0x8f: {  	v3 =	vor.u32 v3, v4  }
0x90: {  	v4 =	vperm.xlane v3, v0;
	_ =	sdelay $0x1  }
0x91: {  	v3 =	vperm.xlane v3, v2;
	v4 =	vadd.s32 v1, v4;
	_ =	sdelay $0x1  }
0x92: {  	v3 =	vadd.s32 v1, v3;
	_ =	sdelay $0x2  }
0x93: {  	[tilespmem:s20], [sflag:$0x1] =	stream.indirect_vreg.gather [hbm4b:s1+s3], $0x80, v4, vm0, $0xb8;
	[tilespmem:$0x10100] =	vst v63  }
0x94: {  	_ = 	snop  }
0x95: {  	[tilespmem:s21], [sflag:$0x1] =	stream.indirect_vreg.gather [hbm4b:s1+s3], $0x80, v3, vm0, $0xb8;
	[tilespmem:$0x10100] =	vst v63  }
0x96: {  	v3 =	vld [tilespmem:$0xB0];
	_ =	sdelay $0x4  }
0x97: {  	v59 =	vshll.u32 v3, $0x1  }
0x98: {  	v3 =	vand.u32 $0x7, v3;
	v4 =	vand.u32 $0xFFFFFFF0, v59  }
0x99: {  	v3 =	vor.u32 v3, v4  }
0x9a: {  	v4 =	vperm.xlane v3, v0;
	_ =	sdelay $0x1  }
0x9b: {  	v3 =	vperm.xlane v3, v2;
	v4 =	vadd.s32 v1, v4;
	_ =	sdelay $0x1  }
0x9c: {  	v3 =	vadd.s32 v1, v3;
	_ =	sdelay $0x2  }
0x9d: {  	[tilespmem:s22], [sflag:$0x1] =	stream.indirect_vreg.gather [hbm4b:s1+s3], $0x80, v4, vm0, $0xb8;
	[tilespmem:$0x10100] =	vst v63  }
0x9e: {  	_ = 	snop  }
0x9f: {  	[tilespmem:s23], [sflag:$0x1] =	stream.indirect_vreg.gather [hbm4b:s1+s3], $0x80, v3, vm0, $0xb8;
	[tilespmem:$0x10100] =	vst v63  }
0xa0: {  	v3 =	vld [tilespmem:$0xC0];
	_ =	sdelay $0x4  }
0xa1: {  	v60 =	vshll.u32 v3, $0x1  }
0xa2: {  	v3 =	vand.u32 $0x7, v3;
	v4 =	vand.u32 $0xFFFFFFF0, v60  }
0xa3: {  	v3 =	vor.u32 v3, v4  }
0xa4: {  	v4 =	vperm.xlane v3, v0;
	_ =	sdelay $0x1  }
0xa5: {  	v3 =	vperm.xlane v3, v2;
	v4 =	vadd.s32 v1, v4;
	_ =	sdelay $0x1  }
0xa6: {  	v3 =	vadd.s32 v1, v3;
	_ =	sdelay $0x2  }
0xa7: {  	[tilespmem:s24], [sflag:$0x1] =	stream.indirect_vreg.gather [hbm4b:s1+s3], $0x80, v4, vm0, $0xb8;
	[tilespmem:$0x10100] =	vst v63  }
0xa8: {  	_ = 	snop  }
0xa9: {  	[tilespmem:s25], [sflag:$0x1] =	stream.indirect_vreg.gather [hbm4b:s1+s3], $0x80, v3, vm0, $0xb8;
	[tilespmem:$0x10100] =	vst v63  }
0xaa: {  	v3 =	vld [tilespmem:$0xD0];
	_ =	sdelay $0x4  }
0xab: {  	v61 =	vshll.u32 v3, $0x1  }
0xac: {  	v3 =	vand.u32 $0x7, v3;
	v4 =	vand.u32 $0xFFFFFFF0, v61  }
0xad: {  	v3 =	vor.u32 v3, v4  }
0xae: {  	v4 =	vperm.xlane v3, v0;
	_ =	sdelay $0x1  }
0xaf: {  	v3 =	vperm.xlane v3, v2;
	v4 =	vadd.s32 v1, v4;
	_ =	sdelay $0x1  }
0xb0: {  	v3 =	vadd.s32 v1, v3;
	_ =	sdelay $0x2  }
0xb1: {  	[tilespmem:s26], [sflag:$0x1] =	stream.indirect_vreg.gather [hbm4b:s1+s3], $0x80, v4, vm0, $0xb8;
	[tilespmem:$0x10100] =	vst v63  }
0xb2: {  	_ = 	snop  }
0xb3: {  	[tilespmem:s28], [sflag:$0x1] =	stream.indirect_vreg.gather [hbm4b:s1+s3], $0x80, v3, vm0, $0xb8;
	[tilespmem:$0x10100] =	vst v63  }
0xb4: {  	v3 =	vld [tilespmem:$0xE0];
	_ =	sdelay $0x4  }
0xb5: {  	v62 =	vshll.u32 v3, $0x1  }
0xb6: {  	v3 =	vand.u32 $0x7, v3;
	v4 =	vand.u32 $0xFFFFFFF0, v62  }
0xb7: {  	v3 =	vor.u32 v3, v4  }
0xb8: {  	v4 =	vperm.xlane v3, v0;
	_ =	sdelay $0x1  }
0xb9: {  	v3 =	vperm.xlane v3, v2;
	v4 =	vadd.s32 v1, v4;
	_ =	sdelay $0x1  }
0xba: {  	v3 =	vadd.s32 v1, v3;
	_ =	sdelay $0x2  }
0xbb: {  	[tilespmem:s29], [sflag:$0x1] =	stream.indirect_vreg.gather [hbm4b:s1+s3], $0x80, v4, vm0, $0xb8;
	[tilespmem:$0x10100] =	vst v63  }
0xbc: {  	_ = 	snop  }
0xbd: {  	[tilespmem:s30], [sflag:$0x1] =	stream.indirect_vreg.gather [hbm4b:s1+s3], $0x80, v3, vm0, $0xb8;
	[tilespmem:$0x10100] =	vst v63  }
0xbe: {  	v3 =	vld [tilespmem:$0xF0];
	_ =	sdelay $0x4  }
0xbf: {  	v63 =	vshll.u32 v3, $0x1  }
0xc0: {  	v3 =	vand.u32 $0x7, v3;
	v4 =	vand.u32 $0xFFFFFFF0, v63  }
0xc1: {  	v3 =	vor.u32 v3, v4  }
0xc2: {  	v4 =	vperm.xlane v3, v0;
	_ =	sdelay $0x1  }
0xc3: {  	v3 =	vperm.xlane v3, v2;
	v4 =	vadd.s32 v1, v4;
	_ =	sdelay $0x1  }
0xc4: {  	v3 =	vadd.s32 v1, v3;
	_ =	sdelay $0x2  }
0xc5: {  	[tilespmem:s31], [sflag:$0x1] =	stream.indirect_vreg.gather [hbm4b:s1+s3], $0x80, v4, vm0, $0xb8;
	[tilespmem:$0x10100] =	vst v63  }
0xc6: {  	_ = 	snop  }
0xc7: {  	[tilespmem:s2], [sflag:$0x1] =	stream.indirect_vreg.gather [hbm4b:s1+s3], $0x80, v3, vm0, $0xb8;
	[tilespmem:$0x10100] =	vst v63  }
0xc8: {  	_ =	swait.ge [sflag:s14], $0x8000  }
0xc9: {  	p0 =	sne.s32 s5, $0x1;
	[sflag:s14] =	ssyncset.done $0x0  }
.Ltmp0:
0xca: {  	s8 =	rddreg [dreg:$0x5];
	[sflag:s14] =	ssyncadd.s32 $0xFFFF8000;
	(pc) =	sbr.rel @p0 .LBB2_1-.Ltmp0, $4  }
0xcb: {  	[hbm4b:s8+s3] =	stream.linear.scatter [tilespmem:s7], [sflag:$0x2], $0x10000, $0x38;
	[tilespmem:$0x10100] =	vst v63  }
0xcc: {  	_ =	swait.ge [sflag:s6], $0x10000  }
0xcd: {  	[sflag:s6] =	ssyncset.done $0x0  }
0xce: {  	s5 =	sadd.s32 $0xFFFFFFFF, s5;
	[sflag:s6] =	ssyncadd.s32 $0xFFFF0000  }
0xcf: {  	_ =	sfence.sel $0x180000  }
0xd0: {  	[bflag:$0x0] =	sbarrier.arrive $0xFFFF  }
0xd1: {  	_ =	strace $0x90000047  }
0xd2: {  	s0 =	stileid.u32;
	[bflag:$0x2] =	sbarrier.arrive $0xFFFF  }
0xd3: {  	p0 =	sne.s32 s0, $0x0;
	s0 =	rddreg [dreg:$0x3]  }
0xd4: {  	s0 =	sadd.s32 @!p0 $0x100000, s0  }
0xd5: {  	[sflag:s0] =	ssyncadd.tile.s32 @!p0 $0x1;
	_ =	shalt  }
.Lfunc_end2:
_tile_overlayer_lowered:
.L_overlay_start_2:
0xd6: {  	(tag) =	ssettag $0x2  }
0xd7: {  	s0 =	rddreg [dreg:$0x0];
	s2 =	stileid.u32  }
0xd8: {  	s1 =	rddreg [dreg:$0x1];
	p0 =	sne.s32 s2, $0x0  }
0xd9: {  	s3 =	rddreg [dreg:$0x2];
	[bflag:$0x3] =	sbarrier.arrive $0xFFFF;
	s2 =	simm.s32 @!p0 $0x1C02  }
0xda: {  	[timem:s3], [sflag:s2] =	dma.local @!p0 [hbm:s0], s1  }
0xdb: {  	s0 =	simm.s32 @!p0 $0x2  }
0xdc: {  	_ =	swait.ge @!p0 [sflag:s0], s1  }
0xdd: {  	s1 =	ssub.s32 @!p0 $0x0, s1;
	[sflag:s0] =	ssyncset.done @!p0 $0x0  }
0xde: {  	[sflag:s0] =	ssyncadd.s32 @!p0 s1  }
0xdf: {  	[bflag:$0x3] =	sbarrier.arrive $0xFFFF  }
0xe0: {  	_ =	shalt  }

</sc_bundles>
